<compile_context>
chip_gen: v7x
topology: tpu7x:2x2x1
jax: 0.10.2.dev20260603
libtpu: 0.0.44.dev20260713+nightly
codegen_flags: <defaults>
</compile_context>

<pallas_src>
import functools

import jax
import jax.numpy as jnp
from jax import lax
from jax.experimental import pallas as pl
from jax.experimental.pallas import tpu as pltpu
from jax.experimental.pallas import tpu_sc as plsc

N = 8192
S = 512
L = 16
NC, NS = 2, 16
NW = NC * NS
CHUNKS = N // L


def _fps_body(x_hbm, y_hbm, z_hbm, ox_hbm, oy_hbm, oz_hbm,
              x_v, y_v, z_v, dist_v, ox_v, oy_v, oz_v):
    b = lax.axis_index("s") * NC + lax.axis_index("c")
    pltpu.sync_copy(x_hbm.at[b], x_v)
    pltpu.sync_copy(y_hbm.at[b], y_v)
    pltpu.sync_copy(z_hbm.at[b], z_v)

    big = jnp.full((L,), 1e10, jnp.float32)

    def init_body(i, carry):
        dist_v[pl.ds(i * L, L)] = big
        return carry

    lax.fori_loop(0, CHUNKS, init_body, 0)

    lane = lax.iota(jnp.int32, L)
    lane0 = lane == 0

    def outer(s, far):
        far_vec = jnp.broadcast_to(far, (L,))
        cx = plsc.load_gather(x_v, [far_vec])
        cy = plsc.load_gather(y_v, [far_vec])
        cz = plsc.load_gather(z_v, [far_vec])
        s_vec = jnp.broadcast_to(s, (L,))
        plsc.store_scatter(ox_v, [s_vec], cx, mask=lane0)
        plsc.store_scatter(oy_v, [s_vec], cy, mask=lane0)
        plsc.store_scatter(oz_v, [s_vec], cz, mask=lane0)

        def chunk(i, carry):
            bv, bi = carry
            sl = pl.ds(i * L, L)
            dx = x_v[sl] - cx
            dy = y_v[sl] - cy
            dz = z_v[sl] - cz
            d = dx * dx + dy * dy + dz * dz
            dd = jnp.minimum(dist_v[sl], d)
            dist_v[sl] = dd
            m = dd > bv
            bv = jnp.where(m, dd, bv)
            bi = jnp.where(m, i * L + lane, bi)
            return bv, bi

        bv0 = jnp.full((L,), -1.0, jnp.float32)
        bv, bi = lax.fori_loop(0, CHUNKS, chunk, (bv0, lane))

        m = jnp.max(bv)
        cand = jnp.where(bv == m, bi, jnp.int32(N))
        return jnp.min(cand)

    lax.fori_loop(0, S, outer, jnp.int32(0))

    pltpu.sync_copy(ox_v, ox_hbm.at[b])
    pltpu.sync_copy(oy_v, oy_hbm.at[b])
    pltpu.sync_copy(oz_v, oz_hbm.at[b])


@functools.lru_cache(maxsize=None)
def _build_fps_sc(interpret=False):
    return pl.kernel(
        _fps_body,
        out_type=(
            jax.ShapeDtypeStruct((NW, S), jnp.float32),
            jax.ShapeDtypeStruct((NW, S), jnp.float32),
            jax.ShapeDtypeStruct((NW, S), jnp.float32),
        ),
        mesh=plsc.VectorSubcoreMesh(core_axis_name="c", subcore_axis_name="s",
                                    num_cores=NC, num_subcores=NS),
        scratch_types=[
            pltpu.VMEM((N,), jnp.float32),
            pltpu.VMEM((N,), jnp.float32),
            pltpu.VMEM((N,), jnp.float32),
            pltpu.VMEM((N,), jnp.float32),
            pltpu.VMEM((S,), jnp.float32),
            pltpu.VMEM((S,), jnp.float32),
            pltpu.VMEM((S,), jnp.float32),
        ],
        compiler_params=pltpu.CompilerParams(needs_layout_passes=False),
        interpret=interpret,
    )


@jax.jit
def kernel(xyz):
    assert xyz.shape == (NW, N, 3)
    x = xyz[:, :, 0]
    y = xyz[:, :, 1]
    z = xyz[:, :, 2]
    ox, oy, oz = _build_fps_sc()(x, y, z)
    return jnp.stack([ox, oy, oz], axis=-1)

# --- scband reference (transcript-rebuilt; emitter-appended) ---
"""Pipeline reference for scband-fpssampling-40810779246882 (READ-ONLY COPY).

The authoritative reference and input builder live on the scoring server;
editing this copy changes nothing except your own understanding.
"""

import jax, jax.numpy as jnp
import numpy as np

NUM_GROUP = 512


def setup_inputs(seed: int = 0) -> dict:
    key = jax.random.key(seed)
    xyz = jax.random.normal(key, (32, 8192, 3), dtype=jnp.float32)
    return {"xyz": xyz}


def _fps_indices(xyz, num_samples):
    B, N, _ = xyz.shape
    distance = jnp.full((B, N), 1e10, dtype=xyz.dtype)
    # torch reference starts from a random index; we use a deterministic start (index 0)
    farthest = jnp.zeros((B,), dtype=jnp.int32)

    def body(carry, _):
        dist_so_far, far = carry
        centroid = xyz[jnp.arange(B), far, :].reshape(B, 1, 3)
        dist = jnp.sum((xyz - centroid) ** 2, axis=-1)
        dist_so_far = jnp.minimum(dist_so_far, dist)
        new_far = jnp.argmax(dist_so_far, axis=-1).astype(jnp.int32)
        return (dist_so_far, new_far), far

    (_, _), cents = jax.lax.scan(body, (distance, farthest), None, length=num_samples)
    # cents: [num_samples, B] -> [B, num_samples]
    return cents.T


def reference(xyz):
    B = xyz.shape[0]
    centroids = _fps_indices(xyz, NUM_GROUP)
    sampled_points = xyz[jnp.arange(B)[:, None], centroids]
    return sampled_points

if __name__ == "__main__":
    import jax
    _d = setup_inputs()
    print(jax.jit(kernel)(*tuple(_d.values())))

</pallas_src>

<mosaic_0001>
#map = affine_map<(d0, d1) -> (0, 0)>
module attributes {stable_mosaic.version = 14 : i64} {
  func.func @_fps_body(%arg0: i32, %arg1: i32, %arg2: memref<32x8192xf32, #tpu.memory_space<hbm>>, %arg3: memref<32x8192xf32, #tpu.memory_space<hbm>>, %arg4: memref<32x8192xf32, #tpu.memory_space<hbm>>, %arg5: memref<32x512xf32, #tpu.memory_space<hbm>>, %arg6: memref<32x512xf32, #tpu.memory_space<hbm>>, %arg7: memref<32x512xf32, #tpu.memory_space<hbm>>, %arg8: memref<8192xf32, #tpu.memory_space<vmem>>, %arg9: memref<8192xf32, #tpu.memory_space<vmem>>, %arg10: memref<8192xf32, #tpu.memory_space<vmem>>, %arg11: memref<8192xf32, #tpu.memory_space<vmem>>, %arg12: memref<512xf32, #tpu.memory_space<vmem>>, %arg13: memref<512xf32, #tpu.memory_space<vmem>>, %arg14: memref<512xf32, #tpu.memory_space<vmem>>) attributes {dimension_semantics = [#tpu.dimension_semantics<core_parallel>, #tpu.dimension_semantics<subcore_parallel>], iteration_bounds = array<i64: 2, 16>, scalar_prefetch = 0 : i64, scratch_operands = 7 : i64, tpu.core_type = #tpu.core_type<sc_vector_subcore>, window_params = [{transform_indices = #map}, {transform_indices = #map}, {transform_indices = #map}, {transform_indices = #map}, {transform_indices = #map}, {transform_indices = #map}]} {
    %mul3A = arith.constant 2 : i32
    %mul3A_0 = arith.muli %arg1, %mul3A : i32
    %add3A = arith.addi %mul3A_0, %arg0 : i32
    "tpu.region"() ({
      %run_scoped3A = tpu.sem_alloc : memref<!tpu.dma_semaphore, #tpu.memory_space<semaphore_mem>>
      %dma_start3A = arith.constant 0 : i32
      %dma_start3A_16 = tpu.memref_slice %arg2[%add3A, %dma_start3A] : memref<32x8192xf32, #tpu.memory_space<hbm>> -> memref<1x8192xf32, #tpu.memory_space<hbm>>
      %dma_start3A_17 = tpu.memref_squeeze %dma_start3A_16 : memref<1x8192xf32, #tpu.memory_space<hbm>> -> memref<8192xf32, #tpu.memory_space<hbm>>
      %dma_start3A_18 = arith.constant 0 : i32
      %dma_start3A_19 = tpu.memref_slice %arg2[%add3A, %dma_start3A_18] : memref<32x8192xf32, #tpu.memory_space<hbm>> -> memref<1x8192xf32, #tpu.memory_space<hbm>>
      %dma_start3A_20 = tpu.memref_squeeze %dma_start3A_19 : memref<1x8192xf32, #tpu.memory_space<hbm>> -> memref<8192xf32, #tpu.memory_space<hbm>>
      tpu.enqueue_dma source(%dma_start3A_20 : memref<8192xf32, #tpu.memory_space<hbm>>) target(%arg8 : memref<8192xf32, #tpu.memory_space<vmem>>) target_semaphore(%run_scoped3A : memref<!tpu.dma_semaphore, #tpu.memory_space<semaphore_mem>>)
      %dma_wait3A = arith.constant 0 : i32
      %dma_wait3A_21 = tpu.memref_slice %arg2[%add3A, %dma_wait3A] : memref<32x8192xf32, #tpu.memory_space<hbm>> -> memref<1x8192xf32, #tpu.memory_space<hbm>>
      %dma_wait3A_22 = tpu.memref_squeeze %dma_wait3A_21 : memref<1x8192xf32, #tpu.memory_space<hbm>> -> memref<8192xf32, #tpu.memory_space<hbm>>
      %dma_wait3A_23 = arith.constant 0 : i32
      %dma_wait3A_24 = tpu.memref_slice %arg2[%add3A, %dma_wait3A_23] : memref<32x8192xf32, #tpu.memory_space<hbm>> -> memref<1x8192xf32, #tpu.memory_space<hbm>>
      %dma_wait3A_25 = tpu.memref_squeeze %dma_wait3A_24 : memref<1x8192xf32, #tpu.memory_space<hbm>> -> memref<8192xf32, #tpu.memory_space<hbm>>
      tpu.wait_dma2 semaphore(%run_scoped3A : memref<!tpu.dma_semaphore, #tpu.memory_space<semaphore_mem>>) src(%dma_wait3A_25 : memref<8192xf32, #tpu.memory_space<hbm>>) dst(%arg8 : memref<8192xf32, #tpu.memory_space<vmem>>)
      tpu.yield
    }) : () -> ()
    "tpu.region"() ({
      %run_scoped3A = tpu.sem_alloc : memref<!tpu.dma_semaphore, #tpu.memory_space<semaphore_mem>>
      %dma_start3A = arith.constant 0 : i32
      %dma_start3A_16 = tpu.memref_slice %arg3[%add3A, %dma_start3A] : memref<32x8192xf32, #tpu.memory_space<hbm>> -> memref<1x8192xf32, #tpu.memory_space<hbm>>
      %dma_start3A_17 = tpu.memref_squeeze %dma_start3A_16 : memref<1x8192xf32, #tpu.memory_space<hbm>> -> memref<8192xf32, #tpu.memory_space<hbm>>
      %dma_start3A_18 = arith.constant 0 : i32
      %dma_start3A_19 = tpu.memref_slice %arg3[%add3A, %dma_start3A_18] : memref<32x8192xf32, #tpu.memory_space<hbm>> -> memref<1x8192xf32, #tpu.memory_space<hbm>>
      %dma_start3A_20 = tpu.memref_squeeze %dma_start3A_19 : memref<1x8192xf32, #tpu.memory_space<hbm>> -> memref<8192xf32, #tpu.memory_space<hbm>>
      tpu.enqueue_dma source(%dma_start3A_20 : memref<8192xf32, #tpu.memory_space<hbm>>) target(%arg9 : memref<8192xf32, #tpu.memory_space<vmem>>) target_semaphore(%run_scoped3A : memref<!tpu.dma_semaphore, #tpu.memory_space<semaphore_mem>>)
      %dma_wait3A = arith.constant 0 : i32
      %dma_wait3A_21 = tpu.memref_slice %arg3[%add3A, %dma_wait3A] : memref<32x8192xf32, #tpu.memory_space<hbm>> -> memref<1x8192xf32, #tpu.memory_space<hbm>>
      %dma_wait3A_22 = tpu.memref_squeeze %dma_wait3A_21 : memref<1x8192xf32, #tpu.memory_space<hbm>> -> memref<8192xf32, #tpu.memory_space<hbm>>
      %dma_wait3A_23 = arith.constant 0 : i32
      %dma_wait3A_24 = tpu.memref_slice %arg3[%add3A, %dma_wait3A_23] : memref<32x8192xf32, #tpu.memory_space<hbm>> -> memref<1x8192xf32, #tpu.memory_space<hbm>>
      %dma_wait3A_25 = tpu.memref_squeeze %dma_wait3A_24 : memref<1x8192xf32, #tpu.memory_space<hbm>> -> memref<8192xf32, #tpu.memory_space<hbm>>
      tpu.wait_dma2 semaphore(%run_scoped3A : memref<!tpu.dma_semaphore, #tpu.memory_space<semaphore_mem>>) src(%dma_wait3A_25 : memref<8192xf32, #tpu.memory_space<hbm>>) dst(%arg9 : memref<8192xf32, #tpu.memory_space<vmem>>)
      tpu.yield
    }) : () -> ()
    "tpu.region"() ({
      %run_scoped3A = tpu.sem_alloc : memref<!tpu.dma_semaphore, #tpu.memory_space<semaphore_mem>>
      %dma_start3A = arith.constant 0 : i32
      %dma_start3A_16 = tpu.memref_slice %arg4[%add3A, %dma_start3A] : memref<32x8192xf32, #tpu.memory_space<hbm>> -> memref<1x8192xf32, #tpu.memory_space<hbm>>
      %dma_start3A_17 = tpu.memref_squeeze %dma_start3A_16 : memref<1x8192xf32, #tpu.memory_space<hbm>> -> memref<8192xf32, #tpu.memory_space<hbm>>
      %dma_start3A_18 = arith.constant 0 : i32
      %dma_start3A_19 = tpu.memref_slice %arg4[%add3A, %dma_start3A_18] : memref<32x8192xf32, #tpu.memory_space<hbm>> -> memref<1x8192xf32, #tpu.memory_space<hbm>>
      %dma_start3A_20 = tpu.memref_squeeze %dma_start3A_19 : memref<1x8192xf32, #tpu.memory_space<hbm>> -> memref<8192xf32, #tpu.memory_space<hbm>>
      tpu.enqueue_dma source(%dma_start3A_20 : memref<8192xf32, #tpu.memory_space<hbm>>) target(%arg10 : memref<8192xf32, #tpu.memory_space<vmem>>) target_semaphore(%run_scoped3A : memref<!tpu.dma_semaphore, #tpu.memory_space<semaphore_mem>>)
      %dma_wait3A = arith.constant 0 : i32
      %dma_wait3A_21 = tpu.memref_slice %arg4[%add3A, %dma_wait3A] : memref<32x8192xf32, #tpu.memory_space<hbm>> -> memref<1x8192xf32, #tpu.memory_space<hbm>>
      %dma_wait3A_22 = tpu.memref_squeeze %dma_wait3A_21 : memref<1x8192xf32, #tpu.memory_space<hbm>> -> memref<8192xf32, #tpu.memory_space<hbm>>
      %dma_wait3A_23 = arith.constant 0 : i32
      %dma_wait3A_24 = tpu.memref_slice %arg4[%add3A, %dma_wait3A_23] : memref<32x8192xf32, #tpu.memory_space<hbm>> -> memref<1x8192xf32, #tpu.memory_space<hbm>>
      %dma_wait3A_25 = tpu.memref_squeeze %dma_wait3A_24 : memref<1x8192xf32, #tpu.memory_space<hbm>> -> memref<8192xf32, #tpu.memory_space<hbm>>
      tpu.wait_dma2 semaphore(%run_scoped3A : memref<!tpu.dma_semaphore, #tpu.memory_space<semaphore_mem>>) src(%dma_wait3A_25 : memref<8192xf32, #tpu.memory_space<hbm>>) dst(%arg10 : memref<8192xf32, #tpu.memory_space<vmem>>)
      tpu.yield
    }) : () -> ()
    %broadcast_in_dim3A = arith.constant 1.000000e+10 : f32
    %broadcast_in_dim3A_1 = vector.broadcast %broadcast_in_dim3A : f32 to vector<16xf32>
    %scan3A = arith.constant 0 : i32
    %scan3A_2 = arith.constant 0 : i32
    %scan3A_3 = arith.constant 512 : i32
    %scan3A_4 = arith.addi %scan3A_2, %scan3A_3 : i32
    %scan3A_5 = arith.constant 1 : i32
    scf.for %scan3A_16 = %scan3A_2 to %scan3A_4 step %scan3A_5  : i32 {
      %mul3A_17 = arith.constant 16 : i32
      %mul3A_18 = arith.muli %scan3A_16, %mul3A_17 : i32
      %swap3A = arith.index_cast %mul3A_18 : i32 to index
      %swap3A_19 = tpu.vector_load %arg11[%swap3A] {strides = array<i32>} : memref<8192xf32, #tpu.memory_space<vmem>>, vector<16xf32>,
      tpu.vector_store %arg11[%swap3A], %broadcast_in_dim3A_1 {strides = array<i32>} : memref<8192xf32, #tpu.memory_space<vmem>>, vector<16xf32>,
    }
    %scan3A_6 = arith.constant 512 : i32
    %iota3A = tpu.iota {dimensions = array<i32: 0>} : vector<16xi32>
    %eq3A = arith.constant 0 : i32
    %eq3A_7 = vector.broadcast %eq3A : i32 to vector<16xi32>
    %eq3A_8 = arith.cmpi eq, %iota3A, %eq3A_7 : vector<16xi32>
    %scan3A_9 = arith.constant 0 : i32
    %scan3A_10 = arith.constant 0 : i32
    %scan3A_11 = arith.constant 512 : i32
    %scan3A_12 = arith.addi %scan3A_10, %scan3A_11 : i32
    %scan3A_13 = arith.constant 1 : i32
    %scan3A_14 = scf.for %scan3A_16 = %scan3A_10 to %scan3A_12 step %scan3A_13 iter_args(%scan3A_17 = %scan3A_9) -> (i32)  : i32 {
      %broadcast_in_dim3A_18 = vector.broadcast %scan3A_17 : i32 to vector<16xi32>
      %gather3A = tpu.vector_load_idx %arg8[%broadcast_in_dim3A_18] : memref<8192xf32, #tpu.memory_space<vmem>>[vector<16xi32>], vector<16xf32>,
      %gather3A_19 = tpu.vector_load_idx %arg9[%broadcast_in_dim3A_18] : memref<8192xf32, #tpu.memory_space<vmem>>[vector<16xi32>], vector<16xf32>,
      %gather3A_20 = tpu.vector_load_idx %arg10[%broadcast_in_dim3A_18] : memref<8192xf32, #tpu.memory_space<vmem>>[vector<16xi32>], vector<16xf32>,
      %broadcast_in_dim3A_21 = vector.broadcast %scan3A_16 : i32 to vector<16xi32>
      tpu.vector_store_idx %arg12[%broadcast_in_dim3A_21], %gather3A masked %eq3A_8 : memref<512xf32, #tpu.memory_space<vmem>>[vector<16xi32>], vector<16xf32>, vector<16xi1>
      tpu.vector_store_idx %arg13[%broadcast_in_dim3A_21], %gather3A_19 masked %eq3A_8 : memref<512xf32, #tpu.memory_space<vmem>>[vector<16xi32>], vector<16xf32>, vector<16xi1>
      tpu.vector_store_idx %arg14[%broadcast_in_dim3A_21], %gather3A_20 masked %eq3A_8 : memref<512xf32, #tpu.memory_space<vmem>>[vector<16xi32>], vector<16xf32>, vector<16xi1>
      %broadcast_in_dim3A_22 = arith.constant -1.000000e+00 : f32
      %broadcast_in_dim3A_23 = vector.broadcast %broadcast_in_dim3A_22 : f32 to vector<16xf32>
      %scan3A_24 = arith.constant 0 : i32
      %scan3A_25 = arith.constant 512 : i32
      %scan3A_26 = arith.addi %scan3A_24, %scan3A_25 : i32
      %scan3A_27 = arith.constant 1 : i32
      %scan3A_28:2 = scf.for %scan3A_43 = %scan3A_24 to %scan3A_26 step %scan3A_27 iter_args(%scan3A_44 = %broadcast_in_dim3A_23, %scan3A_45 = %iota3A) -> (vector<16xf32>, vector<16xi32>)  : i32 {
        %mul3A_46 = arith.constant 16 : i32
        %mul3A_47 = arith.muli %scan3A_43, %mul3A_46 : i32
        %get3A = arith.index_cast %mul3A_47 : i32 to index
        %get3A_48 = tpu.vector_load %arg8[%get3A] {strides = array<i32>} : memref<8192xf32, #tpu.memory_space<vmem>>, vector<16xf32>,
        %sub3A = arith.subf %get3A_48, %gather3A : vector<16xf32>
        %get3A_49 = arith.index_cast %mul3A_47 : i32 to index
        %get3A_50 = tpu.vector_load %arg9[%get3A_49] {strides = array<i32>} : memref<8192xf32, #tpu.memory_space<vmem>>, vector<16xf32>,
        %sub3A_51 = arith.subf %get3A_50, %gather3A_19 : vector<16xf32>
        %get3A_52 = arith.index_cast %mul3A_47 : i32 to index
        %get3A_53 = tpu.vector_load %arg10[%get3A_52] {strides = array<i32>} : memref<8192xf32, #tpu.memory_space<vmem>>, vector<16xf32>,
        %sub3A_54 = arith.subf %get3A_53, %gather3A_20 : vector<16xf32>
        %mul3A_55 = arith.mulf %sub3A, %sub3A : vector<16xf32>
        %mul3A_56 = arith.mulf %sub3A_51, %sub3A_51 : vector<16xf32>
        %add3A_57 = arith.addf %mul3A_55, %mul3A_56 : vector<16xf32>
        %mul3A_58 = arith.mulf %sub3A_54, %sub3A_54 : vector<16xf32>
        %add3A_59 = arith.addf %add3A_57, %mul3A_58 : vector<16xf32>
        %get3A_60 = arith.index_cast %mul3A_47 : i32 to index
        %get3A_61 = tpu.vector_load %arg11[%get3A_60] {strides = array<i32>} : memref<8192xf32, #tpu.memory_space<vmem>>, vector<16xf32>,
        %min3A = arith.minimumf %get3A_61, %add3A_59 : vector<16xf32>
        %swap3A = arith.index_cast %mul3A_47 : i32 to index
        %swap3A_62 = tpu.vector_load %arg11[%swap3A] {strides = array<i32>} : memref<8192xf32, #tpu.memory_space<vmem>>, vector<16xf32>,
        tpu.vector_store %arg11[%swap3A], %min3A {strides = array<i32>} : memref<8192xf32, #tpu.memory_space<vmem>>, vector<16xf32>,
        %gt3A = arith.cmpf ogt, %min3A, %scan3A_44 : vector<16xf32>
        %select_n3A_63 = arith.select %gt3A, %min3A, %scan3A_44 : vector<16xi1>, vector<16xf32>
        %mul3A_64 = arith.constant 16 : i32
        %mul3A_65 = arith.muli %scan3A_43, %mul3A_64 : i32
        %add3A_66 = vector.broadcast %mul3A_65 : i32 to vector<16xi32>
        %add3A_67 = arith.addi %add3A_66, %iota3A : vector<16xi32>
        %select_n3A_68 = arith.select %gt3A, %add3A_67, %scan3A_45 : vector<16xi1>, vector<16xi32>
        scf.yield %select_n3A_63, %select_n3A_68 : vector<16xf32>, vector<16xi32>
      }
      %scan3A_29 = arith.constant 512 : i32
      %reduce_max3A = arith.constant true
      %reduce_max3A_30 = vector.broadcast %reduce_max3A : i1 to vector<16xi1>
      %reduce_max3A_31 = tpu.scan <max>, %scan3A_28#0 masked %reduce_max3A_30 : vector<16xf32>, vector<16xi1> -> vector<16xf32>
      %reduce_max3A_32 = vector.extract %reduce_max3A_31[15] : f32 from vector<16xf32>
      %eq3A_33 = vector.broadcast %reduce_max3A_32 : f32 to vector<16xf32>
      %eq3A_34 = arith.cmpf oeq, %scan3A_28#0, %eq3A_33 : vector<16xf32>
      %jit3A = arith.constant 8192 : i32
      %broadcast_in_dim3A_35 = vector.broadcast %jit3A : i32 to vector<16xi32>
      %select_n3A = arith.select %eq3A_34, %scan3A_28#1, %broadcast_in_dim3A_35 : vector<16xi1>, vector<16xi32>
      %reduce_min3A = arith.constant true
      %reduce_min3A_36 = vector.broadcast %reduce_min3A : i1 to vector<16xi1>
      %reduce_min3A_37 = arith.constant -2147483648 : i32
      %reduce_min3A_38 = vector.broadcast %reduce_min3A_37 : i32 to vector<16xi32>
      %reduce_min3A_39 = arith.xori %select_n3A, %reduce_min3A_38 : vector<16xi32>
      %reduce_min3A_40 = tpu.scan <min>, %reduce_min3A_39 masked %reduce_min3A_36 : vector<16xi32>, vector<16xi1> -> vector<16xi32>
      %reduce_min3A_41 = arith.xori %reduce_min3A_40, %reduce_min3A_38 : vector<16xi32>
      %reduce_min3A_42 = vector.extract %reduce_min3A_41[15] : i32 from vector<16xi32>
      scf.yield %reduce_min3A_42 : i32
    }
    %scan3A_15 = arith.constant 512 : i32
    "tpu.region"() ({
      %run_scoped3A = tpu.sem_alloc : memref<!tpu.dma_semaphore, #tpu.memory_space<semaphore_mem>>
      %dma_start3A = arith.constant 0 : i32
      %dma_start3A_16 = tpu.memref_slice %arg5[%add3A, %dma_start3A] : memref<32x512xf32, #tpu.memory_space<hbm>> -> memref<1x512xf32, #tpu.memory_space<hbm>>
      %dma_start3A_17 = tpu.memref_squeeze %dma_start3A_16 : memref<1x512xf32, #tpu.memory_space<hbm>> -> memref<512xf32, #tpu.memory_space<hbm>>
      %dma_start3A_18 = arith.constant 0 : i32
      %dma_start3A_19 = tpu.memref_slice %arg5[%add3A, %dma_start3A_18] : memref<32x512xf32, #tpu.memory_space<hbm>> -> memref<1x512xf32, #tpu.memory_space<hbm>>
      %dma_start3A_20 = tpu.memref_squeeze %dma_start3A_19 : memref<1x512xf32, #tpu.memory_space<hbm>> -> memref<512xf32, #tpu.memory_space<hbm>>
      tpu.enqueue_dma source(%arg12 : memref<512xf32, #tpu.memory_space<vmem>>) target(%dma_start3A_20 : memref<512xf32, #tpu.memory_space<hbm>>) target_semaphore(%run_scoped3A : memref<!tpu.dma_semaphore, #tpu.memory_space<semaphore_mem>>)
      %dma_wait3A = arith.constant 0 : i32
      %dma_wait3A_21 = tpu.memref_slice %arg5[%add3A, %dma_wait3A] : memref<32x512xf32, #tpu.memory_space<hbm>> -> memref<1x512xf32, #tpu.memory_space<hbm>>
      %dma_wait3A_22 = tpu.memref_squeeze %dma_wait3A_21 : memref<1x512xf32, #tpu.memory_space<hbm>> -> memref<512xf32, #tpu.memory_space<hbm>>
      %dma_wait3A_23 = arith.constant 0 : i32
      %dma_wait3A_24 = tpu.memref_slice %arg5[%add3A, %dma_wait3A_23] : memref<32x512xf32, #tpu.memory_space<hbm>> -> memref<1x512xf32, #tpu.memory_space<hbm>>
      %dma_wait3A_25 = tpu.memref_squeeze %dma_wait3A_24 : memref<1x512xf32, #tpu.memory_space<hbm>> -> memref<512xf32, #tpu.memory_space<hbm>>
      tpu.wait_dma2 semaphore(%run_scoped3A : memref<!tpu.dma_semaphore, #tpu.memory_space<semaphore_mem>>) src(%arg12 : memref<512xf32, #tpu.memory_space<vmem>>) dst(%dma_wait3A_25 : memref<512xf32, #tpu.memory_space<hbm>>)
      tpu.yield
    }) : () -> ()
    "tpu.region"() ({
      %run_scoped3A = tpu.sem_alloc : memref<!tpu.dma_semaphore, #tpu.memory_space<semaphore_mem>>
      %dma_start3A = arith.constant 0 : i32
      %dma_start3A_16 = tpu.memref_slice %arg6[%add3A, %dma_start3A] : memref<32x512xf32, #tpu.memory_space<hbm>> -> memref<1x512xf32, #tpu.memory_space<hbm>>
      %dma_start3A_17 = tpu.memref_squeeze %dma_start3A_16 : memref<1x512xf32, #tpu.memory_space<hbm>> -> memref<512xf32, #tpu.memory_space<hbm>>
      %dma_start3A_18 = arith.constant 0 : i32
      %dma_start3A_19 = tpu.memref_slice %arg6[%add3A, %dma_start3A_18] : memref<32x512xf32, #tpu.memory_space<hbm>> -> memref<1x512xf32, #tpu.memory_space<hbm>>
      %dma_start3A_20 = tpu.memref_squeeze %dma_start3A_19 : memref<1x512xf32, #tpu.memory_space<hbm>> -> memref<512xf32, #tpu.memory_space<hbm>>
      tpu.enqueue_dma source(%arg13 : memref<512xf32, #tpu.memory_space<vmem>>) target(%dma_start3A_20 : memref<512xf32, #tpu.memory_space<hbm>>) target_semaphore(%run_scoped3A : memref<!tpu.dma_semaphore, #tpu.memory_space<semaphore_mem>>)
      %dma_wait3A = arith.constant 0 : i32
      %dma_wait3A_21 = tpu.memref_slice %arg6[%add3A, %dma_wait3A] : memref<32x512xf32, #tpu.memory_space<hbm>> -> memref<1x512xf32, #tpu.memory_space<hbm>>
      %dma_wait3A_22 = tpu.memref_squeeze %dma_wait3A_21 : memref<1x512xf32, #tpu.memory_space<hbm>> -> memref<512xf32, #tpu.memory_space<hbm>>
      %dma_wait3A_23 = arith.constant 0 : i32
      %dma_wait3A_24 = tpu.memref_slice %arg6[%add3A, %dma_wait3A_23] : memref<32x512xf32, #tpu.memory_space<hbm>> -> memref<1x512xf32, #tpu.memory_space<hbm>>
      %dma_wait3A_25 = tpu.memref_squeeze %dma_wait3A_24 : memref<1x512xf32, #tpu.memory_space<hbm>> -> memref<512xf32, #tpu.memory_space<hbm>>
      tpu.wait_dma2 semaphore(%run_scoped3A : memref<!tpu.dma_semaphore, #tpu.memory_space<semaphore_mem>>) src(%arg13 : memref<512xf32, #tpu.memory_space<vmem>>) dst(%dma_wait3A_25 : memref<512xf32, #tpu.memory_space<hbm>>)
      tpu.yield
    }) : () -> ()
    "tpu.region"() ({
      %run_scoped3A = tpu.sem_alloc : memref<!tpu.dma_semaphore, #tpu.memory_space<semaphore_mem>>
      %dma_start3A = arith.constant 0 : i32
      %dma_start3A_16 = tpu.memref_slice %arg7[%add3A, %dma_start3A] : memref<32x512xf32, #tpu.memory_space<hbm>> -> memref<1x512xf32, #tpu.memory_space<hbm>>
      %dma_start3A_17 = tpu.memref_squeeze %dma_start3A_16 : memref<1x512xf32, #tpu.memory_space<hbm>> -> memref<512xf32, #tpu.memory_space<hbm>>
      %dma_start3A_18 = arith.constant 0 : i32
      %dma_start3A_19 = tpu.memref_slice %arg7[%add3A, %dma_start3A_18] : memref<32x512xf32, #tpu.memory_space<hbm>> -> memref<1x512xf32, #tpu.memory_space<hbm>>
      %dma_start3A_20 = tpu.memref_squeeze %dma_start3A_19 : memref<1x512xf32, #tpu.memory_space<hbm>> -> memref<512xf32, #tpu.memory_space<hbm>>
      tpu.enqueue_dma source(%arg14 : memref<512xf32, #tpu.memory_space<vmem>>) target(%dma_start3A_20 : memref<512xf32, #tpu.memory_space<hbm>>) target_semaphore(%run_scoped3A : memref<!tpu.dma_semaphore, #tpu.memory_space<semaphore_mem>>)
      %dma_wait3A = arith.constant 0 : i32
      %dma_wait3A_21 = tpu.memref_slice %arg7[%add3A, %dma_wait3A] : memref<32x512xf32, #tpu.memory_space<hbm>> -> memref<1x512xf32, #tpu.memory_space<hbm>>
      %dma_wait3A_22 = tpu.memref_squeeze %dma_wait3A_21 : memref<1x512xf32, #tpu.memory_space<hbm>> -> memref<512xf32, #tpu.memory_space<hbm>>
      %dma_wait3A_23 = arith.constant 0 : i32
      %dma_wait3A_24 = tpu.memref_slice %arg7[%add3A, %dma_wait3A_23] : memref<32x512xf32, #tpu.memory_space<hbm>> -> memref<1x512xf32, #tpu.memory_space<hbm>>
      %dma_wait3A_25 = tpu.memref_squeeze %dma_wait3A_24 : memref<1x512xf32, #tpu.memory_space<hbm>> -> memref<512xf32, #tpu.memory_space<hbm>>
      tpu.wait_dma2 semaphore(%run_scoped3A : memref<!tpu.dma_semaphore, #tpu.memory_space<semaphore_mem>>) src(%arg14 : memref<512xf32, #tpu.memory_space<vmem>>) dst(%dma_wait3A_25 : memref<512xf32, #tpu.memory_space<hbm>>)
      tpu.yield
    }) : () -> ()
    return
  }
}

</mosaic_0001>

<sc_bundles>
// kernel: kernel.3.cloned.1.call-start
scs
__scs_entry_jumppad:
0x0: {  	(pc) =	sbr.rel $0x88, $3  }
0x1: {  	(tag) =	ssettag $0x0;
	lr =	simm.s32 $0x1  }
0x2: {  	[smem:$0x3FA0] =	sst lr;
	_ =	strace $0xD0000000  }
0x3: {  	_ = 	snop  }
0x4: {  	_ = 	snop  }
0x5: {  	_ = 	snop  }
0x6: {  	_ = 	snop  }
0x7: {  	_ = 	snop  }
__scs_overlays_trampoline_lowered:
0x8: {  	[smem:$0x3FAF] =	sst s0  }
0x9: {  	[smem:$0x3FB0] =	sst s1  }
0xa: {  	[smem:$0x3FB1] =	sst s2  }
0xb: {  	[smem:$0x3FB2] =	sst s3  }
0xc: {  	[smem:$0x3FB3] =	sst s4  }
0xd: {  	[smem:$0x3FB4] =	sst s5  }
0xe: {  	[smem:$0x3FB5] =	sst s6  }
0xf: {  	[smem:$0x3FB6] =	sst s7  }
0x10: {  	[smem:$0x3FB7] =	sst s8  }
0x11: {  	[smem:$0x3FB8] =	sst s9;
	s0 =	simm.s32 @!p0 $0x0  }
0x12: {  	s1 =	sld [smem:$0x3F9E];
	s0 =	simm.s32 @p0 $0x1  }
0x13: {  	[smem:$0x3FB9] =	sst s0;
	s0 =	simm.s32 @!p1 $0x0  }
0x14: {  	s2 =	sld [smem:$0x3F9D];
	s0 =	simm.s32 @p1 $0x1  }
0x15: {  	[smem:$0x3FBA] =	sst s0;
	s0 =	simm.s32 @!p2 $0x0  }
0x16: {  	s3 =	sld [smem:$0x3FDB];
	s0 =	simm.s32 @p2 $0x1  }
0x17: {  	s4 =	simm.s32 $0x1BF5;
	[smem:$0x3FBC] =	sst s0  }
0x18: {  	s0 =	sld [smem:$0x3F9F];
	_ =	swait.ge [sflag:s4], $0x0  }
0x19: {  	s7 =	sld [smem:$0x3FA0]  }
0x1a: {  	s8 =	sadd.s32 $0xFFFFE003, lr  }
0x1b: {  	s9 =	sadd.s32 $0xFFFFFEF7, lr;
	s5 =	simm.s32 $0xFFFFFFFF;
	p2 =	slt.u32 s8, $0xFFFFF086  }
0x1c: {  	p1 =	slt.u32 s9, $0xF7A;
	s5 =	simm.s32 @!p2 $0x0  }
0x1d: {  	s5 =	simm.s32 @p1 $0x1;
	p0 =	seq.s32 s7, s2  }
0x1e: {  	s7 =	smul.u32 @!p0 $0xF7A, s2;
	p2 =	seq.s32 @!p0 s5, $0x0  }
0x1f: {  	s9 =	smul.u32 $0xF7A, s1;
	s8 =	simm.s32 @!p0 $0x1BF5;
	p2 =	por !p2, p0  }
0x20: {  	[sflag:s8] =	ssyncset.s32 @!p0 $0xFFFFF086;
	s6 =	sadd.s32 @!p0 s3, s7;
	s7 =	simm.s32 @!p0 $0x108  }
0x21: {  	s3 =	sadd.s32 s3, s9;
	s6 =	sadd.s32 @!p0 $0x88, s6;
	s7 =	simm.s32 @p2 $0x1082  }
0x22: {  	[simem:s7], [sflag:s8] =	dma.local @!p0 [hbm:s6], $0xF7A  }
0x23: {  	s9 =	sor.u32 $0xD0000000, s2;
	s6 =	simm.s32 $0x108;
	_ =	swait.ge @!p0 [sflag:s8], $0x0  }
0x24: {  	s3 =	sadd.s32 $0x88, s3;
	s6 =	simm.s32 @!p1 $0x1082;
	[sflag:s4] =	ssyncset.s32 $0xFFFFF086  }
0x25: {  	[simem:s6], [sflag:s4] =	dma.local [hbm:s3], $0xF7A  }
0x26: {  	[smem:$0x3FA0] =	sst s1;
	(tag) =	ssettag s2;
	_ =	strace s9  }
0x27: {  	s1 =	sld [smem:$0x3FB0]  }
0x28: {  	s2 =	sld [smem:$0x3FB1]  }
0x29: {  	s4 =	sld [smem:$0x3FB3]  }
0x2a: {  	p0 =	seq.s32 s5, $0x0;
	s5 =	sld [smem:$0x3FB4]  }
0x2b: {  	s6 =	sld [smem:$0x3FB5]  }
0x2c: {  	s7 =	sld [smem:$0x3FB6]  }
0x2d: {  	s3 =	simm.s32 $0x108;
	s8 =	sld [smem:$0x3FB7]  }
0x2e: {  	s3 =	simm.s32 @!p0 $0x1082;
	s9 =	sld [smem:$0x3FB8]  }
0x2f: {  	lr =	sadd.s32 s0, s3;
	s0 =	sld [smem:$0x3FAF]  }
0x30: {  	s3 =	sld [smem:$0x3FB2]  }
0x31: {  	[smem:$0x3FBB] =	sst s10  }
0x32: {  	s10 =	sld [smem:$0x3FB9];
	_ =	sdelay $0x3  }
0x33: {  	p0 =	seq.s32 s10, $0x1;
	s10 =	sld [smem:$0x3FBB];
	_ =	sdelay $0x3  }
0x34: {  	[smem:$0x3FBB] =	sst s10  }
0x35: {  	s10 =	sld [smem:$0x3FBA];
	_ =	sdelay $0x3  }
0x36: {  	p1 =	seq.s32 s10, $0x1;
	s10 =	sld [smem:$0x3FBB];
	_ =	sdelay $0x3  }
0x37: {  	[smem:$0x3FBB] =	sst s10  }
0x38: {  	s10 =	sld [smem:$0x3FBC]  }
0x39: {  	_ = 	snop;
	(pc) =	sbr.ind lr, $3  }
0x3a: {  	_ = 	snop  }
0x3b: {  	_ = 	snop  }
0x3c: {  	p2 =	seq.s32 s10, $0x1;
	s10 =	sld [smem:$0x3FBB]  }
0x3d: {  	_ =	shalt  }
0x3e: {  	_ =	shalt  }
0x3f: {  	_ =	shalt  }
0x40: {  	_ =	shalt  }
0x41: {  	_ =	shalt  }
0x42: {  	_ =	shalt  }
0x43: {  	_ =	shalt  }
0x44: {  	_ =	shalt  }
0x45: {  	_ =	shalt  }
0x46: {  	_ =	shalt  }
0x47: {  	_ =	shalt  }
0x48: {  	_ =	shalt  }
0x49: {  	_ =	shalt  }
0x4a: {  	_ =	shalt  }
0x4b: {  	_ =	shalt  }
0x4c: {  	_ =	shalt  }
0x4d: {  	_ =	shalt  }
0x4e: {  	_ =	shalt  }
0x4f: {  	_ =	shalt  }
0x50: {  	_ =	shalt  }
0x51: {  	_ =	shalt  }
0x52: {  	_ =	shalt  }
0x53: {  	_ =	shalt  }
0x54: {  	_ =	shalt  }
0x55: {  	_ =	shalt  }
0x56: {  	_ =	shalt  }
0x57: {  	_ =	shalt  }
0x58: {  	_ =	shalt  }
0x59: {  	_ =	shalt  }
0x5a: {  	_ =	shalt  }
0x5b: {  	_ =	shalt  }
0x5c: {  	_ =	shalt  }
0x5d: {  	_ =	shalt  }
0x5e: {  	_ =	shalt  }
0x5f: {  	_ =	shalt  }
0x60: {  	_ =	shalt  }
0x61: {  	_ =	shalt  }
0x62: {  	_ =	shalt  }
0x63: {  	_ =	shalt  }
0x64: {  	_ =	shalt  }
0x65: {  	_ =	shalt  }
0x66: {  	_ =	shalt  }
0x67: {  	_ =	shalt  }
0x68: {  	_ =	shalt  }
0x69: {  	_ =	shalt  }
0x6a: {  	_ =	shalt  }
0x6b: {  	_ =	shalt  }
0x6c: {  	_ =	shalt  }
0x6d: {  	_ =	shalt  }
0x6e: {  	_ =	shalt  }
0x6f: {  	_ =	shalt  }
0x70: {  	_ =	shalt  }
0x71: {  	_ =	shalt  }
0x72: {  	_ =	shalt  }
0x73: {  	_ =	shalt  }
0x74: {  	_ =	shalt  }
0x75: {  	_ =	shalt  }
0x76: {  	_ =	shalt  }
0x77: {  	_ =	shalt  }
0x78: {  	_ =	shalt  }
0x79: {  	_ =	shalt  }
0x7a: {  	_ =	shalt  }
0x7b: {  	_ =	shalt  }
0x7c: {  	_ =	shalt  }
0x7d: {  	_ =	shalt  }
0x7e: {  	_ =	shalt  }
0x7f: {  	_ =	shalt  }
0x80: {  	_ =	shalt  }
0x81: {  	_ =	shalt  }
0x82: {  	_ =	shalt  }
0x83: {  	_ =	shalt  }
0x84: {  	_ =	shalt  }
0x85: {  	_ =	shalt  }
0x86: {  	_ =	shalt  }
0x87: {  	_ =	shalt  }
.Lfunc_end0:
.L_simem_size_0:
called_computation_lowered:
.L_overlay_start_0:
0x88: {  	s2 =	sld [smem:$0x3FD9]  }
0x89: {  	s3 =	sld [smem:$0x3FFE];
	_ =	sdelay $0x1  }
0x8a: {  	s1 =	srdreg.scid  }
0x8b: {  	s0 =	sand.u32 $0x1, s1  }
0x8c: {  	s16 =	sshll.u32 s0, $0xA;
	s2 =	sadd.s32 s3, s2  }
0x8d: {  	s2 =	sadd.s32 s2, s16  }
0x8e: {  	[smem:$0x3FC7] =	sst s2  }
0x8f: {  	_ = 	snop  }
0x90: {  	(tm) =	ssettm $0x1  }
0x91: {  	s17 =	sld [smem:$0x3FFB];
	_ =	sdelay $0x3  }
0x92: {  	_ =	strace s17  }
0x93: {  	s2 =	sld [smem:$0x3FFC];
	_ =	sdelay $0x3  }
0x94: {  	_ =	strace s2  }
0x95: {  	s2 =	sld [smem:$0x3FFD];
	_ =	sdelay $0x3  }
0x96: {  	_ =	strace s2  }
0x97: {  	_ =	strace $0x8FFFFFFF  }
0x98: {  	s18 =	sld [smem:$0x3FDB];
	_ =	sdelay $0x1  }
0x99: {  	s19 =	simm.s32 $_scs_section_size  }
0x9a: {  	s4 =	simm.s32 $_size__tile_overlayer_lowered;
	s5 =	simm.s32 $_tile_overlayer_lowered  }
0x9b: {  	s22 =	simm.s32 $0x1BFF;
	s21 =	sshll.u32 s5, $0x1;
	s2 =	sadd.s32 s19, s18  }
0x9c: {  	s6 =	simm.s32 $0x0;
	s20 =	sshll.u32 s4, $0x1;
	s4 =	sadd.s32 s21, s2  }
0x9d: {  	[timem:s6], [sflag:s22] =	dma.local [hbm:s4], s20  }
0x9e: {  	_ =	swait.ge [sflag:s22], s20  }
0x9f: {  	s3 =	ssub.s32 $0x0, s20;
	[sflag:s22] =	ssyncset.done $0x0  }
0xa0: {  	[sflag:s22] =	ssyncadd.s32 s3;
	_ =	sdelay $0x1  }
0xa1: {  	s23 =	simm.s32 $0x1B8B  }
0xa2: {  	_ =	swait.ge [sflag:s23], $0x1  }
0xa3: {  	[sflag:s23] =	ssyncset.done $0x0  }
0xa4: {  	s25 =	simm.s32 $0x1B8E;
	s24 =	sld [smem:$0x3FFE];
	[sflag:s23] =	ssyncadd.s32 $0xFFFFFFFF  }
0xa5: {  	s26 =	simm.s32 $execute0_lowered;
	[smem:$0x3FD2] =	sst s25  }
0xa6: {  	s4 =	sshll.u32 s26, $0x1;
	_ =	strace $0x80000046;
	[dreg:$0x1] =	wrdreg $0xFFFFFFFF  }
0xa7: {  	s28 =	simm.s32 $_size_execute0_lowered;
	s2 =	sadd.s32 s2, s4;
	[dreg:$0x0] =	wrdreg $0x0  }
0xa8: {  	s4 =	sshll.u32 s28, $0x1;
	[dreg:$0x2] =	wrdreg s2  }
0xa9: {  	[dreg:$0x3] =	wrdreg s4  }
0xaa: {  	[dreg:$0x4] =	wrdreg $0xC0  }
0xab: {  	_ =	task [dreg:s6], $0x5FFFF  }
0xac: {  	[dreg:$0x1] =	wrdreg $0xFFFFFFFF  }
0xad: {  	[dreg:$0x0] =	wrdreg $0x60  }
0xae: {  	[dreg:$0x2] =	wrdreg s24  }
0xaf: {  	[dreg:$0x3] =	wrdreg $0x9  }
0xb0: {  	_ =	task.clear_ibuf [dreg:s6], $0x4FFFF;
	_ =	strace $0x90000046  }
0xb1: {  	s29 =	simm.s32 $0x9;
	_ =	strace $0x80000048  }
0xb2: {  	_ =	swait.ge [sflag:s29], $0x1  }
0xb3: {  	[sflag:s29] =	ssyncadd.s32 $0xFFFFFFFF  }
0xb4: {  	_ =	strace $0x90000048  }
0xb5: {  	_ =	sfence  }
0xb6: {  	s30 =	sld [smem:$0x0];
	_ =	sdelay $0x2  }
0xb7: {  	s31 =	sshll.u32 s1, $0xD;
	s1 =	sshrl.u32 s1, $0x2  }
0xb8: {  	s3 =	sand.u32 $0x4000, s31;
	s1 =	sadd.s32 s1, s30  }
0xb9: {  	s0 =	sor.u32 s3, s0;
	s1 =	sshll.u32 s1, $0x11  }
0xba: {  	s0 =	sor.u32 s1, s0  }
0xbb: {  	s0 =	sadd.s32 $0x8F2B, s0  }
0xbc: {  	[sflag:s0] =	ssyncadd.remote.s32 $0x1  }
0xbd: {  	_ =	sfence.sel $0xFFFF  }
0xbe: {  	[dreg:$0x0] =	wrdreg $0xFFFFFFFF;
	(pc) =	sbr.abs _section_cstart, $3  }
0xbf: {  	[dreg:$0x1] =	wrdreg $0xFFFFFFFF  }
0xc0: {  	_ =	task.clear_ibuf [dreg:s6], $0x2FFFF;
	_ =	strace $0x9FFFFFFF  }
0xc1: {  	(tm) =	ssettm $0x7FFFFFFF  }
tec
execute0_lowered:
.L_overlay_start_1:
0x0: {  	(tag) =	ssettag $0x1  }
0x1: {  	s3 =	rddreg [dreg:$0x0]  }
0x2: {  	s0 =	rddreg [dreg:$0x1]  }
0x3: {  	s4 =	srdreg.scid;
	s1 =	stileid.u32  }
0x4: {  	s2 =	simm.s32 $0x0;
	s10 =	simm.s32 $0x80;
	s11 =	simm.s32 $0x400  }
0x5: {  	s12 =	simm.s32 $0x1;
	s13 =	simm.s32 $0x2000;
	s14 =	simm.s32 $0x4000  }
0x6: {  	s15 =	simm.s32 $0x8000;
	s16 =	simm.s32 $0x8200;
	s17 =	simm.s32 $0x8400  }
0x7: {  	s18 =	simm.s32 $0x0;
	s4 =	sand.u32 $0x1, s4;
	s5 =	sshll.u32 s1, $0x8  }
0x8: {  	s6 =	sshrl.u32 s1, $0x2;
	[smem:$0x7FF] =	sst s2;
	s7 =	sshll.u32 s4, $0x7  }
0x9: {  	s5 =	sand.u32 $0x300, s5;
	s29 =	sshll.u32 s6, $0x10;
	_ =	strace $0x80000047  }
0xa: {  	s6 =	sshll.u32 s6, $0xC;
	s4 =	ssub.s32 $0x2, s4;
	s5 =	sor.u32 s7, s5  }
0xb: {  	s31 =	sshrl.u32 s4, $0x1;
	s7 =	sor.u32 s29, s5;
	s5 =	sor.u32 s6, s5  }
0xc: {  	s9 =	ssub.s32 s4, s31;
	s7 =	sshrl.u32 s7, $0x3;
	s5 =	sshrl.u32 s5, $0x3  }
0xd: {  	s9 =	smax.u32 s9, $0x1;
	s30 =	sadd.s32 s7, s3;
	s8 =	sadd.s32 s5, s3  }
0xe: {  	s3 =	sadd.s32 $0x10A00, s30;
	s4 =	sadd.s32 $0x8A00, s30;
	s5 =	sadd.s32 $0xA00, s30  }
0xf: {  	v0 =	vimm.f32 $1.000000000e+10;
	v1 =	vlaneseq.u32;
	s6 =	sadd.s32 $0x18A00, s8;
	s7 =	sadd.s32 $0x19200, s8;
	s8 =	sadd.s32 $0x19A00, s8  }
.LBB2_1:
0x10: {  	[tilespmem:s2], [sflag:$0x1] =	stream.strided.gather [hbm4b:s3+s10], $0x2000, s11, s10, $0x38;
	[tilespmem:$0x8600] =	vst v63  }
0x11: {  	_ =	swait.ge [sflag:s12], $0x2000  }
0x12: {  	[sflag:s12] =	ssyncset.done $0x0  }
0x13: {  	[sflag:s12] =	ssyncadd.s32 $0xFFFFE000  }
0x14: {  	[tilespmem:s13], [sflag:$0x1] =	stream.strided.gather [hbm4b:s4+s10], $0x2000, s11, s10, $0x38;
	[tilespmem:$0x8600] =	vst v63  }
0x15: {  	_ =	swait.ge [sflag:s12], $0x2000  }
0x16: {  	[sflag:s12] =	ssyncset.done $0x0  }
0x17: {  	[sflag:s12] =	ssyncadd.s32 $0xFFFFE000  }
0x18: {  	[tilespmem:s14], [sflag:$0x1] =	stream.strided.gather [hbm4b:s5+s10], $0x2000, s11, s10, $0x38;
	[tilespmem:$0x8600] =	vst v63  }
0x19: {  	_ =	swait.ge [sflag:s12], $0x2000  }
0x1a: {  	[sflag:s12] =	ssyncset.done $0x0  }
0x1b: {  	s19 =	simm.s32 $0x40;
	s20 =	simm.s32 $0x0;
	[sflag:s12] =	ssyncadd.s32 $0xFFFFE000  }
.LBB2_2:
0x1c: {  	p0 =	sne.s32 s19, $0x7FC0;
	[tilespmem:s20+$0x6000] =	vst v0;
	s20 =	smov.u32 s19;
	s19 =	sadd.s32 $0x40, s19  }
.Ltmp0:
0x1d: {  	(pc) =	sbr.rel @p0 .LBB2_2-.Ltmp0, $2  }
0x1e: {  	_ =	sdelay $0x2  }
0x1f: {  	s20 =	sshra.s32 s20, $0x2  }
0x20: {  	[tilespmem:s20+$0x6000] =	vst v0;
	s19 =	simm.s32 $0x0;
	s21 =	simm.s32 $0x0;
	s20 =	simm.s32 $0x0  }
.LBB2_4:
0x21: {  	v4 =	vmov s21;
	_ =	sdelay $0x4  }
0x22: {  	s22 =	simm.s32 $0x2000;
	v5 =	vmov s20;
	v2 =	vld.idx.msk [tilespmem:v4+s19+$0x0], $0xffff  }
0x23: {  	s21 =	simm.s32 $0x4000;
	v3 =	vld.idx.msk [tilespmem:v4+s22+$0x0], $0xffff  }
0x24: {  	v4 =	vld.idx.msk [tilespmem:v4+s21+$0x0], $0xffff;
	_ =	sdelay $0x2  }
0x25: {  	[tilespmem:v5+s15+$0x0] =	vst.idx.msk $0x1, v2  }
0x26: {  	[tilespmem:v5+s16+$0x0] =	vst.idx.msk $0x1, v3  }
0x27: {  	[tilespmem:v5+s17+$0x0] =	vst.idx.msk $0x1, v4  }
0x28: {  	v5 =	vld [tilespmem:s19+$0x0]  }
0x29: {  	v6 =	vld [tilespmem:s22+$0x0];
	_ =	sdelay $0x1  }
0x2a: {  	v7 =	vld [tilespmem:s21+$0x0];
	_ =	sdelay $0x2  }
0x2b: {  	v5 =	vsub.f32 v5, v2;
	v6 =	vsub.f32 v6, v3;
	_ =	sdelay $0x1  }
0x2c: {  	s22 =	simm.s32 $0x6000;
	v7 =	vsub.f32 v7, v4;
	v5 =	vmul.f32 v5, v5;
	v6 =	vmul.f32 v6, v6  }
0x2d: {  	v8 =	vld [tilespmem:s22+$0x0]  }
0x2e: {  	v5 =	vadd.f32 v6, v5;
	v6 =	vmul.f32 v7, v7;
	_ =	sdelay $0x1  }
0x2f: {  	v5 =	vadd.f32 v6, v5;
	_ =	sdelay $0x1  }
0x30: {  	v6 =	vimm.f32 $-1.000000000e+00;
	v5 =	vmin.f32 v8, v5  }
0x31: {  	s23 =	simm.s32 $0x10;
	v9 =	vor.u32 s19, v1;
	v8 =	vlaneseq.u32;
	[tilespmem:s22+$0x0] =	vst v5;
	vm0 =	vgt.f32 v5, v6  }
0x32: {  	s24 =	simm.s32 $0x20;
	s25 =	simm.s32 $0x2010;
	s26 =	simm.s32 $0x10;
	v7 =	vld [tilespmem:s23+$0x0];
	v6 =	vsel vm0, v5, v6;
	v5 =	vsel vm0, v9, v8  }
.LBB2_5:
0x33: {  	p0 =	sne.s32 s24, $0x1FF0;
	v8 =	vld [tilespmem:s25+$0x0]  }
0x34: {  	s21 =	sadd.s32 $0x10, s21  }
0x35: {  	v9 =	vld [tilespmem:s21+$0x0];
	_ =	sdelay $0x2  }
0x36: {  	v7 =	vsub.f32 v7, v2;
	v8 =	vsub.f32 v8, v3;
	_ =	sdelay $0x1  }
0x37: {  	s22 =	sadd.s32 $0x10, s22;
	v7 =	vmul.f32 v7, v7;
	v9 =	vsub.f32 v9, v4;
	v8 =	vmul.f32 v8, v8  }
0x38: {  	v10 =	vld [tilespmem:s22+$0x0]  }
0x39: {  	v7 =	vadd.f32 v8, v7;
	v8 =	vmul.f32 v9, v9;
	_ =	sdelay $0x1  }
.Ltmp1:
0x3a: {  	v7 =	vadd.f32 v8, v7;
	(pc) =	sbr.rel @p0 .LBB2_5-.Ltmp1, $4  }
0x3b: {  	_ = 	snop  }
0x3c: {  	v8 =	vmin.f32 v10, v7  }
0x3d: {  	s26 =	sadd.s32 $0x10, s26;
	v9 =	vor.u32 s23, v1;
	s23 =	smov.u32 s24;
	[tilespmem:s22+$0x0] =	vst v8;
	vm0 =	vgt.f32 v8, v6  }
0x3e: {  	s25 =	sadd.s32 $0x10, s25;
	s24 =	sadd.s32 $0x10, s24;
	v7 =	vld [tilespmem:s26+$0x0];
	v6 =	vsel vm0, v8, v6;
	v5 =	vsel vm0, v9, v5  }
0x3f: {  	v8 =	vld [tilespmem:s25+$0x0]  }
0x40: {  	s21 =	sadd.s32 $0x10, s21  }
0x41: {  	v9 =	vld [tilespmem:s21+$0x0];
	_ =	sdelay $0x2  }
0x42: {  	v2 =	vsub.f32 v7, v2;
	v3 =	vsub.f32 v8, v3;
	_ =	sdelay $0x1  }
0x43: {  	s30 =	sadd.s32 $0x10, s22;
	v4 =	vsub.f32 v9, v4;
	v2 =	vmul.f32 v2, v2;
	v3 =	vmul.f32 v3, v3  }
0x44: {  	v61 =	vld [tilespmem:s30+$0x0]  }
0x45: {  	v2 =	vadd.f32 v3, v2;
	v3 =	vmul.f32 v4, v4;
	_ =	sdelay $0x1  }
0x46: {  	v2 =	vadd.f32 v3, v2;
	_ =	sdelay $0x1  }
0x47: {  	v2 =	vmin.f32 v61, v2  }
0x48: {  	vm0 =	vgt.f32 v2, v6  }
0x49: {  	v3 =	vsel vm0, v2, v6  }
0x4a: {  	(xrf0) =	vmax.scan.msk.f32 $0xffff, v3;
	_ =	sdelay $0x5  }
0x4b: {  	v62, _, _ =	vpop (xrf0)  }
0x4c: {  	v63 =	vor.u32 s23, v1;
	v4 =	vbroadcast v62, $0xF  }
0x4d: {  	v5 =	vsel vm0, v63, v5  }
0x4e: {  	vm15 =	veq.f32 v3, v4;
	v3 =	vxor.u32 $0x80000000, v5  }
0x4f: {  	v3 =	vnsel vm15, $0x80002000, v3  }
0x50: {  	(xrf0) =	vmin.scan.msk.u32 $0xffff, v3;
	_ =	sdelay $0x5  }
0x51: {  	v3, _, _ =	vpop (xrf0)  }
0x52: {  	(v2sf) =	vpush v3, $0xF;
	_ =	sdelay $0x9  }
0x53: {  	s20 =	sadd.s32 $0x1, s20  }
0x54: {  	p0 =	sne.s32 s20, $0x200  }
.Ltmp2:
0x55: {  	_ = 	snop;
	(pc) =	sbr.rel @p0 .LBB2_4-.Ltmp2, $3  }
0x56: {  	_ =	sdelay $0x1  }
0x57: {  	s31 =	spop (v2sf)  }
0x58: {  	[tilespmem:s30+$0x0] =	vst v2;
	s21 =	sxor.u32 $0x80000000, s31  }
0x59: {  	[hbm4b:s6+s10] =	stream.strided.scatter [tilespmem:s15], [sflag:$0x1], $0x200, s11, s10, $0x38;
	[tilespmem:$0x8600] =	vst v63  }
0x5a: {  	_ =	swait.ge [sflag:s12], $0x200  }
0x5b: {  	[sflag:s12] =	ssyncset.done $0x0  }
0x5c: {  	[sflag:s12] =	ssyncadd.s32 $0xFFFFFE00  }
0x5d: {  	[hbm4b:s7+s10] =	stream.strided.scatter [tilespmem:s16], [sflag:$0x1], $0x200, s11, s10, $0x38;
	[tilespmem:$0x8600] =	vst v63  }
0x5e: {  	s18 =	sadd.s32 $0x1, s18;
	_ =	swait.ge [sflag:s12], $0x200  }
0x5f: {  	p0 =	sne.s32 s18, s9;
	[sflag:s12] =	ssyncset.done $0x0  }
.Ltmp3:
0x60: {  	[sflag:s12] =	ssyncadd.s32 $0xFFFFFE00;
	(pc) =	sbr.rel @p0 .LBB2_1-.Ltmp3, $4  }
0x61: {  	[hbm4b:s8+s10] =	stream.strided.scatter [tilespmem:s17], [sflag:$0x1], $0x200, s11, s10, $0x38;
	[tilespmem:$0x8600] =	vst v63  }
0x62: {  	_ =	swait.ge [sflag:s12], $0x200  }
0x63: {  	[sflag:s12] =	ssyncset.done $0x0  }
0x64: {  	[sflag:s12] =	ssyncadd.s32 $0xFFFFFE00  }
0x65: {  	_ =	sfence.sel $0x180000  }
0x66: {  	[bflag:$0x0] =	sbarrier.arrive $0xFFFF  }
0x67: {  	p0 =	sne.s32 s1, $0x0;
	_ =	strace $0x90000047  }
0x68: {  	s0 =	sadd.s32 @!p0 $0x100000, s0;
	[bflag:$0x2] =	sbarrier.arrive $0xFFFF  }
0x69: {  	[sflag:s0] =	ssyncadd.tile.s32 @!p0 $0x1;
	_ =	shalt  }
.Lfunc_end2:
_tile_overlayer_lowered:
.L_overlay_start_2:
0x6a: {  	(tag) =	ssettag $0x2  }
0x6b: {  	s0 =	rddreg [dreg:$0x0];
	s2 =	stileid.u32  }
0x6c: {  	s1 =	rddreg [dreg:$0x1];
	p0 =	sne.s32 s2, $0x0  }
0x6d: {  	s3 =	rddreg [dreg:$0x2];
	[bflag:$0x3] =	sbarrier.arrive $0xFFFF;
	s2 =	simm.s32 @!p0 $0x1C01  }
0x6e: {  	[timem:s3], [sflag:s2] =	dma.local @!p0 [hbm:s0], s1  }
0x6f: {  	s0 =	simm.s32 @!p0 $0x1  }
0x70: {  	_ =	swait.ge @!p0 [sflag:s0], s1  }
0x71: {  	s1 =	ssub.s32 @!p0 $0x0, s1;
	[sflag:s0] =	ssyncset.done @!p0 $0x0  }
0x72: {  	[sflag:s0] =	ssyncadd.s32 @!p0 s1  }
0x73: {  	[bflag:$0x3] =	sbarrier.arrive $0xFFFF  }
0x74: {  	_ =	shalt  }

</sc_bundles>
